<compile_context>
chip_gen: v7x
topology: tpu7x:2x2x1
jax: 0.10.2.dev20260603
libtpu: 0.0.44.dev20260713+nightly
codegen_flags: <defaults>
</compile_context>

<pallas_src>
import functools

import jax
import jax.numpy as jnp
from jax import lax
from jax.experimental import pallas as pl
from jax.experimental.pallas import tpu as pltpu
from jax.experimental.pallas import tpu_sc as plsc

VOCAB = 100000
EMBED = 16
BATCH = 1024

PACK = 128 // EMBED
ROWS128 = VOCAB // PACK

V_TILE_A = 4096
NVA = 25
V_TILE_B = 2048
NVB = pl.cdiv(VOCAB, V_TILE_B)
V_PAD = NVA * V_TILE_A
KAUG = 24
NEG_BIG = -1e30


def _make_sc_gather():
    info = plsc.get_sparse_core_info()
    nc, ns = info.num_cores, info.num_subcores
    nw = nc * ns
    b_per_w = BATCH // nw
    mesh = plsc.VectorSubcoreMesh(core_axis_name="c", subcore_axis_name="s")

    @functools.partial(
        pl.kernel,
        mesh=mesh,
        out_type=jax.ShapeDtypeStruct((BATCH, 128), jnp.float32),
        scratch_types=[
            pltpu.VMEM((b_per_w,), jnp.int32),
            pltpu.VMEM((b_per_w, 128), jnp.float32),
            pltpu.SemaphoreType.DMA,
        ],
    )
    def gather_k(table_hbm, row_hbm, out_hbm, row_v, rows_v, sem):
        wid = lax.axis_index("s") * nc + lax.axis_index("c")
        base = wid * b_per_w
        pltpu.sync_copy(row_hbm.at[pl.ds(base, b_per_w)], row_v)
        pltpu.async_copy(table_hbm.at[row_v], rows_v, sem).wait()
        pltpu.sync_copy(rows_v, out_hbm.at[pl.ds(base, b_per_w)])

    return gather_k


@functools.cache
def _sc_gather_cached():
    return _make_sc_gather()


def _extract(e128, sel):
    emb = jnp.zeros((BATCH, EMBED), jnp.float32)
    for r in range(PACK):
        emb = jnp.where(sel == r, e128[:, r * EMBED:(r + 1) * EMBED], emb)
    return emb


def _lse_body(e128_ref, sel_ref, wt_ref, emb2_ref, embs_ref, acc_ref):
    j = pl.program_id(0)

    @pl.when(j == 0)
    def _init():
        emb = _extract(e128_ref[...], sel_ref[...])
        wt16 = wt_ref[0:EMBED, :]
        wn_max = jnp.sqrt(jnp.max(jnp.sum(wt16 * wt16, axis=0)))
        b_max = jnp.max(wt_ref[EMBED:EMBED + 1, :VOCAB])
        ne = jnp.sqrt(jnp.sum(emb * emb, axis=1, keepdims=True))
        m_col = ne * wn_max + b_max + 1.0
        embs_ref[:, 0:EMBED] = emb
        embs_ref[:, EMBED:EMBED + 1] = jnp.ones((BATCH, 1), jnp.float32)
        embs_ref[:, EMBED + 1:EMBED + 2] = -m_col
        embs_ref[:, EMBED + 2:KAUG] = jnp.zeros(
            (BATCH, KAUG - EMBED - 2), jnp.float32)
        acc_ref[...] = jnp.zeros((BATCH, 128), jnp.float32)

    shifted = lax.dot_general(
        embs_ref[...], wt_ref[:, pl.ds(j * V_TILE_A, V_TILE_A)],
        (((1,), (0,)), ((), ())),
        preferred_element_type=jnp.float32,
    )
    acc = acc_ref[...]
    for k in range(V_TILE_A // 128):
        acc = acc + jnp.exp(shifted[:, k * 128:(k + 1) * 128])
    acc_ref[...] = acc

    @pl.when(j == NVA - 1)
    def _fin():
        s = jnp.sum(acc_ref[...], axis=1, keepdims=True)
        emb2_ref[...] = embs_ref[...]
        emb2_ref[:, EMBED + 1:EMBED + 2] = (
            embs_ref[:, EMBED + 1:EMBED + 2] - jnp.log(s))


def _out_body(emb2_ref, wt_ref, out_ref):
    out_ref[...] = lax.dot_general(
        emb2_ref[...], wt_ref[...],
        (((1,), (0,)), ((), ())),
        preferred_element_type=jnp.float32,
    )


def kernel(inputs, embeddings, linear_w, linear_b):
    idx = inputs.astype(jnp.int32)
    table128 = embeddings.reshape(ROWS128, 128)
    rows = lax.shift_right_logical(idx, 3)
    sel = (idx & (PACK - 1)).reshape(BATCH, 1)
    e128 = _sc_gather_cached()(table128, rows)

    wt = jnp.concatenate(
        [
            linear_w.T,
            linear_b.reshape(1, VOCAB),
            jnp.ones((1, VOCAB), jnp.float32),
            jnp.zeros((KAUG - EMBED - 2, VOCAB), jnp.float32),
        ],
        axis=0,
    )
    pad_col = jnp.zeros((KAUG, 1), jnp.float32).at[EMBED, 0].set(NEG_BIG)
    wt_aug = jnp.concatenate(
        [wt, jnp.broadcast_to(pad_col, (KAUG, V_PAD - VOCAB))], axis=1)

    emb2 = pl.pallas_call(
        _lse_body,
        grid=(NVA,),
        in_specs=[
            pl.BlockSpec((BATCH, 128), lambda j: (0, 0)),
            pl.BlockSpec((BATCH, 1), lambda j: (0, 0)),
            pl.BlockSpec((KAUG, V_PAD), lambda j: (0, 0)),
        ],
        out_specs=pl.BlockSpec((BATCH, KAUG), lambda j: (0, 0)),
        out_shape=jax.ShapeDtypeStruct((BATCH, KAUG), jnp.float32),
        scratch_shapes=[
            pltpu.VMEM((BATCH, KAUG), jnp.float32),
            pltpu.VMEM((BATCH, 128), jnp.float32),
        ],
    )(e128, sel, wt_aug)

    log_probs = pl.pallas_call(
        _out_body,
        grid=(NVB,),
        in_specs=[
            pl.BlockSpec((BATCH, KAUG), lambda j: (0, 0)),
            pl.BlockSpec((KAUG, V_TILE_B), lambda j: (0, j)),
        ],
        out_specs=pl.BlockSpec((BATCH, V_TILE_B), lambda j: (0, j)),
        out_shape=jax.ShapeDtypeStruct((BATCH, VOCAB), jnp.float32),
    )(emb2, wt_aug)

    return log_probs

# --- scband reference (transcript-rebuilt; emitter-appended) ---
"""Pipeline reference for scband-skip-gram-model-48198122996031 (READ-ONLY COPY).

The authoritative reference and input builder live on the scoring server;
editing this copy changes nothing except your own understanding.
"""

import jax, jax.numpy as jnp
import numpy as np

VOCAB = 100000
EMBED_DIM = 16
BATCH = 1024

def setup_inputs(seed: int = 0) -> dict:
    key = jax.random.key(seed)
    k1, k2, k3, k4 = jax.random.split(key, 4)
    inputs = jax.random.randint(k1, (BATCH,), 0, VOCAB, dtype=jnp.int64 if jax.config.jax_enable_x64 else jnp.int32)
    embeddings = jax.random.normal(k2, (VOCAB, EMBED_DIM), dtype=jnp.float32)
    # torch nn.Linear(embedding_dim, vocab_size): weight [vocab, embed_dim], bias [vocab]
    linear_w = jax.random.normal(k3, (VOCAB, EMBED_DIM), dtype=jnp.float32) * (1.0 / np.sqrt(EMBED_DIM))
    linear_b = jax.random.normal(k4, (VOCAB,), dtype=jnp.float32) * 0.01
    return {"inputs": inputs, "embeddings": embeddings, "linear_w": linear_w, "linear_b": linear_b}

def reference(inputs, embeddings, linear_w, linear_b):
    # embedding lookup (SparseCore gather)
    embeds = jnp.take(embeddings, inputs, axis=0)            # [B, D]
    out = embeds @ linear_w.T + linear_b                     # [B, V]
    log_probs = jax.nn.log_softmax(out, axis=1)              # [B, V]
    return log_probs

if __name__ == "__main__":
    import jax
    _d = setup_inputs()
    print(jax.jit(kernel)(*tuple(_d.values())))

</pallas_src>

<mosaic_0001>
#map = affine_map<(d0, d1) -> (0, 0)>
#map1 = affine_map<(d0, d1) -> (0)>
module attributes {stable_mosaic.version = 14 : i64} {
  func.func @gather_k(%arg0: i32, %arg1: i32, %arg2: memref<12500x128xf32, #tpu.memory_space<hbm>>, %arg3: memref<1024xi32, #tpu.memory_space<hbm>>, %arg4: memref<1024x128xf32, #tpu.memory_space<hbm>>, %arg5: memref<32xi32, #tpu.memory_space<vmem>>, %arg6: memref<32x128xf32, #tpu.memory_space<vmem>>, %arg7: memref<!tpu.dma_semaphore, #tpu.memory_space<semaphore_mem>>) attributes {dimension_semantics = [#tpu.dimension_semantics<core_parallel>, #tpu.dimension_semantics<subcore_parallel>], iteration_bounds = array<i64: 2, 16>, scalar_prefetch = 0 : i64, scratch_operands = 3 : i64, tpu.core_type = #tpu.core_type<sc_vector_subcore>, window_params = [{transform_indices = #map}, {transform_indices = #map1}, {transform_indices = #map}]} {
    %mul3A = arith.constant 2 : i32
    %mul3A_0 = arith.muli %arg1, %mul3A : i32
    %add3A = arith.addi %mul3A_0, %arg0 : i32
    %mul3A_1 = arith.constant 32 : i32
    %mul3A_2 = arith.muli %add3A, %mul3A_1 : i32
    "tpu.region"() ({
      %run_scoped3A = tpu.sem_alloc : memref<!tpu.dma_semaphore, #tpu.memory_space<semaphore_mem>>
      %dma_start3A_7 = tpu.memref_slice %arg3[%mul3A_2] : memref<1024xi32, #tpu.memory_space<hbm>> -> memref<32xi32, #tpu.memory_space<hbm>>
      %dma_start3A_8 = tpu.memref_slice %arg3[%mul3A_2] : memref<1024xi32, #tpu.memory_space<hbm>> -> memref<32xi32, #tpu.memory_space<hbm>>
      tpu.enqueue_dma source(%dma_start3A_8 : memref<32xi32, #tpu.memory_space<hbm>>) target(%arg5 : memref<32xi32, #tpu.memory_space<vmem>>) target_semaphore(%run_scoped3A : memref<!tpu.dma_semaphore, #tpu.memory_space<semaphore_mem>>)
      %dma_wait3A_9 = tpu.memref_slice %arg3[%mul3A_2] : memref<1024xi32, #tpu.memory_space<hbm>> -> memref<32xi32, #tpu.memory_space<hbm>>
      %dma_wait3A_10 = tpu.memref_slice %arg3[%mul3A_2] : memref<1024xi32, #tpu.memory_space<hbm>> -> memref<32xi32, #tpu.memory_space<hbm>>
      tpu.wait_dma2 semaphore(%run_scoped3A : memref<!tpu.dma_semaphore, #tpu.memory_space<semaphore_mem>>) src(%dma_wait3A_10 : memref<32xi32, #tpu.memory_space<hbm>>) dst(%arg5 : memref<32xi32, #tpu.memory_space<vmem>>)
      tpu.yield
    }) : () -> ()
    %dma_start3A = arith.constant 0 : i32
    %dma_start3A_3 = arith.constant 0 : i32
    %dma_start3A_4 = tpu.memref_slice %arg2[%dma_start3A, %dma_start3A_3] : memref<12500x128xf32, #tpu.memory_space<hbm>> -> memref<12500x128xf32, #tpu.memory_space<hbm>>
    tpu.enqueue_indirect_dma source(%dma_start3A_4 : memref<12500x128xf32, #tpu.memory_space<hbm>>) target(%arg6 : memref<32x128xf32, #tpu.memory_space<vmem>>) offsets(%arg5 : memref<32xi32, #tpu.memory_space<vmem>>) semaphore(%arg7 : memref<!tpu.dma_semaphore, #tpu.memory_space<semaphore_mem>>)
    %dma_wait3A = arith.constant 0 : i32
    %dma_wait3A_5 = arith.constant 0 : i32
    %dma_wait3A_6 = tpu.memref_slice %arg2[%dma_wait3A, %dma_wait3A_5] : memref<12500x128xf32, #tpu.memory_space<hbm>> -> memref<12500x128xf32, #tpu.memory_space<hbm>>
    tpu.wait_indirect_dma semaphore(%arg7 : memref<!tpu.dma_semaphore, #tpu.memory_space<semaphore_mem>>) src(%dma_wait3A_6 : memref<12500x128xf32, #tpu.memory_space<hbm>>) dst(%arg6 : memref<32x128xf32, #tpu.memory_space<vmem>>)
    "tpu.region"() ({
      %run_scoped3A = tpu.sem_alloc : memref<!tpu.dma_semaphore, #tpu.memory_space<semaphore_mem>>
      %dma_start3A_7 = arith.constant 0 : i32
      %dma_start3A_8 = tpu.memref_slice %arg4[%mul3A_2, %dma_start3A_7] : memref<1024x128xf32, #tpu.memory_space<hbm>> -> memref<32x128xf32, #tpu.memory_space<hbm>>
      %dma_start3A_9 = arith.constant 0 : i32
      %dma_start3A_10 = tpu.memref_slice %arg4[%mul3A_2, %dma_start3A_9] : memref<1024x128xf32, #tpu.memory_space<hbm>> -> memref<32x128xf32, #tpu.memory_space<hbm>>
      tpu.enqueue_dma source(%arg6 : memref<32x128xf32, #tpu.memory_space<vmem>>) target(%dma_start3A_10 : memref<32x128xf32, #tpu.memory_space<hbm>>) target_semaphore(%run_scoped3A : memref<!tpu.dma_semaphore, #tpu.memory_space<semaphore_mem>>)
      %dma_wait3A_11 = arith.constant 0 : i32
      %dma_wait3A_12 = tpu.memref_slice %arg4[%mul3A_2, %dma_wait3A_11] : memref<1024x128xf32, #tpu.memory_space<hbm>> -> memref<32x128xf32, #tpu.memory_space<hbm>>
      %dma_wait3A_13 = arith.constant 0 : i32
      %dma_wait3A_14 = tpu.memref_slice %arg4[%mul3A_2, %dma_wait3A_13] : memref<1024x128xf32, #tpu.memory_space<hbm>> -> memref<32x128xf32, #tpu.memory_space<hbm>>
      tpu.wait_dma2 semaphore(%run_scoped3A : memref<!tpu.dma_semaphore, #tpu.memory_space<semaphore_mem>>) src(%arg6 : memref<32x128xf32, #tpu.memory_space<vmem>>) dst(%dma_wait3A_14 : memref<32x128xf32, #tpu.memory_space<hbm>>)
      tpu.yield
    }) : () -> ()
    return
  }
}

module attributes {stable_mosaic.version = 14 : i64} {
  func.func @_lse_body(%arg0: i32, %arg1: memref<1024x128xf32, #tpu.memory_space<vmem>>, %arg2: memref<1024x1xi32, #tpu.memory_space<vmem>>, %arg3: memref<24x102400xf32, #tpu.memory_space<vmem>>, %arg4: memref<1024x24xf32, #tpu.memory_space<vmem>>, %arg5: memref<1024x24xf32, #tpu.memory_space<vmem>>, %arg6: memref<1024x128xf32, #tpu.memory_space<vmem>>) attributes {dimension_semantics = [#tpu.dimension_semantics<arbitrary>], iteration_bounds = array<i64: 25>, scalar_prefetch = 0 : i64, scratch_operands = 2 : i64, tpu.core_type = #tpu.core_type<tc>, window_params = [{pipeline_mode = #tpu.pipeline_mode<synchronous>, transform_indices = @transform_0, window_bounds = array<i64: 1024, 128>}, {pipeline_mode = #tpu.pipeline_mode<synchronous>, transform_indices = @transform_1, window_bounds = array<i64: 1024, 1>}, {pipeline_mode = #tpu.pipeline_mode<synchronous>, transform_indices = @transform_2, window_bounds = array<i64: 24, 102400>}, {pipeline_mode = #tpu.pipeline_mode<synchronous>, transform_indices = @transform_3, window_bounds = array<i64: 1024, 24>}]} {
    %eq3A = arith.constant 0 : i32
    %eq3A_0 = arith.cmpi eq, %arg0, %eq3A : i32
    %convert_element_type3A = arith.extui %eq3A_0 : i1 to i32
    %cond3A = arith.constant 0 : i32
    %cond3A_1 = arith.cmpi ne, %convert_element_type3A, %cond3A : i32
    scf.if %cond3A_1 {
      %get3A_112 = arith.constant 0 : index
      %get3A_113 = arith.constant 0 : index
      %get3A_114 = vector.load %arg1[%get3A_112, %get3A_113] : memref<1024x128xf32, #tpu.memory_space<vmem>>, vector<1024x128xf32>
      %get3A_115 = arith.constant 0 : index
      %get3A_116 = arith.constant 0 : index
      %get3A_117 = vector.load %arg2[%get3A_115, %get3A_116] : memref<1024x1xi32, #tpu.memory_space<vmem>>, vector<1024x1xi32>
      %broadcast_in_dim3A = arith.constant 0.000000e+00 : f32
      %broadcast_in_dim3A_118 = vector.broadcast %broadcast_in_dim3A : f32 to vector<1024x16xf32>
      %eq3A_119 = arith.constant 0 : i32
      %eq3A_120 = vector.broadcast %eq3A_119 : i32 to vector<1024x1xi32>
      %eq3A_121 = arith.cmpi eq, %get3A_117, %eq3A_120 : vector<1024x1xi32>
      %slice3A_122 = vector.extract_strided_slice %get3A_114 {offsets = [0, 0], sizes = [1024, 16], strides = [1, 1]} : vector<1024x128xf32> to vector<1024x16xf32>
      %broadcast_in_dim3A_123 = vector.shape_cast %eq3A_121 : vector<1024x1xi1> to vector<1024x1xi1>
      %broadcast_in_dim3A_124 = vector.broadcast %broadcast_in_dim3A_123 : vector<1024x1xi1> to vector<1024x16xi1>
      %select_n3A = arith.select %broadcast_in_dim3A_124, %slice3A_122, %broadcast_in_dim3A_118 : vector<1024x16xi1>, vector<1024x16xf32>
      %eq3A_125 = arith.constant 1 : i32
      %eq3A_126 = vector.broadcast %eq3A_125 : i32 to vector<1024x1xi32>
      %eq3A_127 = arith.cmpi eq, %get3A_117, %eq3A_126 : vector<1024x1xi32>
      %slice3A_128 = vector.extract_strided_slice %get3A_114 {offsets = [0, 16], sizes = [1024, 16], strides = [1, 1]} : vector<1024x128xf32> to vector<1024x16xf32>
      %broadcast_in_dim3A_129 = vector.shape_cast %eq3A_127 : vector<1024x1xi1> to vector<1024x1xi1>
      %broadcast_in_dim3A_130 = vector.broadcast %broadcast_in_dim3A_129 : vector<1024x1xi1> to vector<1024x16xi1>
      %select_n3A_131 = arith.select %broadcast_in_dim3A_130, %slice3A_128, %select_n3A : vector<1024x16xi1>, vector<1024x16xf32>
      %eq3A_132 = arith.constant 2 : i32
      %eq3A_133 = vector.broadcast %eq3A_132 : i32 to vector<1024x1xi32>
      %eq3A_134 = arith.cmpi eq, %get3A_117, %eq3A_133 : vector<1024x1xi32>
      %slice3A_135 = vector.extract_strided_slice %get3A_114 {offsets = [0, 32], sizes = [1024, 16], strides = [1, 1]} : vector<1024x128xf32> to vector<1024x16xf32>
      %broadcast_in_dim3A_136 = vector.shape_cast %eq3A_134 : vector<1024x1xi1> to vector<1024x1xi1>
      %broadcast_in_dim3A_137 = vector.broadcast %broadcast_in_dim3A_136 : vector<1024x1xi1> to vector<1024x16xi1>
      %select_n3A_138 = arith.select %broadcast_in_dim3A_137, %slice3A_135, %select_n3A_131 : vector<1024x16xi1>, vector<1024x16xf32>
      %eq3A_139 = arith.constant 3 : i32
      %eq3A_140 = vector.broadcast %eq3A_139 : i32 to vector<1024x1xi32>
      %eq3A_141 = arith.cmpi eq, %get3A_117, %eq3A_140 : vector<1024x1xi32>
      %slice3A_142 = vector.extract_strided_slice %get3A_114 {offsets = [0, 48], sizes = [1024, 16], strides = [1, 1]} : vector<1024x128xf32> to vector<1024x16xf32>
      %broadcast_in_dim3A_143 = vector.shape_cast %eq3A_141 : vector<1024x1xi1> to vector<1024x1xi1>
      %broadcast_in_dim3A_144 = vector.broadcast %broadcast_in_dim3A_143 : vector<1024x1xi1> to vector<1024x16xi1>
      %select_n3A_145 = arith.select %broadcast_in_dim3A_144, %slice3A_142, %select_n3A_138 : vector<1024x16xi1>, vector<1024x16xf32>
      %eq3A_146 = arith.constant 4 : i32
      %eq3A_147 = vector.broadcast %eq3A_146 : i32 to vector<1024x1xi32>
      %eq3A_148 = arith.cmpi eq, %get3A_117, %eq3A_147 : vector<1024x1xi32>
      %slice3A_149 = vector.extract_strided_slice %get3A_114 {offsets = [0, 64], sizes = [1024, 16], strides = [1, 1]} : vector<1024x128xf32> to vector<1024x16xf32>
      %broadcast_in_dim3A_150 = vector.shape_cast %eq3A_148 : vector<1024x1xi1> to vector<1024x1xi1>
      %broadcast_in_dim3A_151 = vector.broadcast %broadcast_in_dim3A_150 : vector<1024x1xi1> to vector<1024x16xi1>
      %select_n3A_152 = arith.select %broadcast_in_dim3A_151, %slice3A_149, %select_n3A_145 : vector<1024x16xi1>, vector<1024x16xf32>
      %eq3A_153 = arith.constant 5 : i32
      %eq3A_154 = vector.broadcast %eq3A_153 : i32 to vector<1024x1xi32>
      %eq3A_155 = arith.cmpi eq, %get3A_117, %eq3A_154 : vector<1024x1xi32>
      %slice3A_156 = vector.extract_strided_slice %get3A_114 {offsets = [0, 80], sizes = [1024, 16], strides = [1, 1]} : vector<1024x128xf32> to vector<1024x16xf32>
      %broadcast_in_dim3A_157 = vector.shape_cast %eq3A_155 : vector<1024x1xi1> to vector<1024x1xi1>
      %broadcast_in_dim3A_158 = vector.broadcast %broadcast_in_dim3A_157 : vector<1024x1xi1> to vector<1024x16xi1>
      %select_n3A_159 = arith.select %broadcast_in_dim3A_158, %slice3A_156, %select_n3A_152 : vector<1024x16xi1>, vector<1024x16xf32>
      %eq3A_160 = arith.constant 6 : i32
      %eq3A_161 = vector.broadcast %eq3A_160 : i32 to vector<1024x1xi32>
      %eq3A_162 = arith.cmpi eq, %get3A_117, %eq3A_161 : vector<1024x1xi32>
      %slice3A_163 = vector.extract_strided_slice %get3A_114 {offsets = [0, 96], sizes = [1024, 16], strides = [1, 1]} : vector<1024x128xf32> to vector<1024x16xf32>
      %broadcast_in_dim3A_164 = vector.shape_cast %eq3A_162 : vector<1024x1xi1> to vector<1024x1xi1>
      %broadcast_in_dim3A_165 = vector.broadcast %broadcast_in_dim3A_164 : vector<1024x1xi1> to vector<1024x16xi1>
      %select_n3A_166 = arith.select %broadcast_in_dim3A_165, %slice3A_163, %select_n3A_159 : vector<1024x16xi1>, vector<1024x16xf32>
      %eq3A_167 = arith.constant 7 : i32
      %eq3A_168 = vector.broadcast %eq3A_167 : i32 to vector<1024x1xi32>
      %eq3A_169 = arith.cmpi eq, %get3A_117, %eq3A_168 : vector<1024x1xi32>
      %slice3A_170 = vector.extract_strided_slice %get3A_114 {offsets = [0, 112], sizes = [1024, 16], strides = [1, 1]} : vector<1024x128xf32> to vector<1024x16xf32>
      %broadcast_in_dim3A_171 = vector.shape_cast %eq3A_169 : vector<1024x1xi1> to vector<1024x1xi1>
      %broadcast_in_dim3A_172 = vector.broadcast %broadcast_in_dim3A_171 : vector<1024x1xi1> to vector<1024x16xi1>
      %select_n3A_173 = arith.select %broadcast_in_dim3A_172, %slice3A_170, %select_n3A_166 : vector<1024x16xi1>, vector<1024x16xf32>
      %get3A_174 = arith.constant 0 : index
      %get3A_175 = arith.constant 0 : index
      %get3A_176 = vector.load %arg3[%get3A_174, %get3A_175] : memref<24x102400xf32, #tpu.memory_space<vmem>>, vector<16x102400xf32>
      %mul3A_177 = arith.mulf %get3A_176, %get3A_176 : vector<16x102400xf32>
      %reduce_sum3A = arith.constant dense<0.000000e+00> : vector<102400xf32>
      %reduce_sum3A_178 = vector.multi_reduction <add>, %mul3A_177, %reduce_sum3A [0] : vector<16x102400xf32> to vector<102400xf32>
      %reduce_max3A = vector.shape_cast %reduce_sum3A_178 : vector<102400xf32> to vector<1x102400xf32>
      %reduce_max3A_179 = arith.constant dense<0xFF800000> : vector<1xf32>
      %reduce_max3A_180 = vector.multi_reduction <maximumf>, %reduce_max3A, %reduce_max3A_179 [1] : vector<1x102400xf32> to vector<1xf32>
      %reduce_max3A_181 = vector.shape_cast %reduce_max3A_180 : vector<1xf32> to vector<1x1xf32>
      %reduce_max3A_182 = vector.extract %reduce_max3A_181[0, 0] : f32 from vector<1x1xf32>
      %sqrt3A = math.sqrt %reduce_max3A_182 : f32
      %get3A_183 = arith.constant 16 : index
      %get3A_184 = arith.constant 0 : index
      %get3A_185 = vector.load %arg3[%get3A_183, %get3A_184] : memref<24x102400xf32, #tpu.memory_space<vmem>>, vector<1x100000xf32>
      %reduce_max3A_186 = vector.shape_cast %get3A_185 : vector<1x100000xf32> to vector<1x1x100000xf32>
      %reduce_max3A_187 = arith.constant dense<0xFF800000> : vector<1xf32>
      %reduce_max3A_188 = vector.multi_reduction <maximumf>, %reduce_max3A_186, %reduce_max3A_187 [1, 2] : vector<1x1x100000xf32> to vector<1xf32>
      %reduce_max3A_189 = vector.shape_cast %reduce_max3A_188 : vector<1xf32> to vector<1x1x1xf32>
      %reduce_max3A_190 = vector.extract %reduce_max3A_189[0, 0, 0] : f32 from vector<1x1x1xf32>
      %mul3A_191 = arith.mulf %select_n3A_173, %select_n3A_173 : vector<1024x16xf32>
      %reduce_sum3A_192 = arith.constant dense<0.000000e+00> : vector<1024xf32>
      %reduce_sum3A_193 = vector.multi_reduction <add>, %mul3A_191, %reduce_sum3A_192 [1] : vector<1024x16xf32> to vector<1024xf32>
      %broadcast_in_dim3A_194 = vector.shape_cast %reduce_sum3A_193 : vector<1024xf32> to vector<1024x1xf32>
      %sqrt3A_195 = math.sqrt %broadcast_in_dim3A_194 : vector<1024x1xf32>
      %mul3A_196 = vector.broadcast %sqrt3A : f32 to vector<1024x1xf32>
      %mul3A_197 = arith.mulf %sqrt3A_195, %mul3A_196 : vector<1024x1xf32>
      %add3A_198 = vector.broadcast %reduce_max3A_190 : f32 to vector<1024x1xf32>
      %add3A_199 = arith.addf %mul3A_197, %add3A_198 : vector<1024x1xf32>
      %add3A_200 = arith.constant 1.000000e+00 : f32
      %add3A_201 = vector.broadcast %add3A_200 : f32 to vector<1024x1xf32>
      %add3A_202 = arith.addf %add3A_199, %add3A_201 : vector<1024x1xf32>
      %swap3A_203 = arith.constant 0 : index
      %swap3A_204 = arith.constant 0 : index
      %swap3A_205 = vector.load %arg5[%swap3A_203, %swap3A_204] : memref<1024x24xf32, #tpu.memory_space<vmem>>, vector<1024x16xf32>
      tpu.vector_store %arg5[%swap3A_203, %swap3A_204], %select_n3A_173 {strides = array<i32>} : memref<1024x24xf32, #tpu.memory_space<vmem>>, vector<1024x16xf32>,
      %broadcast_in_dim3A_206 = arith.constant 1.000000e+00 : f32
      %broadcast_in_dim3A_207 = vector.broadcast %broadcast_in_dim3A_206 : f32 to vector<1024x1xf32>
      %swap3A_208 = arith.constant 0 : index
      %swap3A_209 = arith.constant 16 : index
      %swap3A_210 = vector.load %arg5[%swap3A_208, %swap3A_209] : memref<1024x24xf32, #tpu.memory_space<vmem>>, vector<1024x1xf32>
      tpu.vector_store %arg5[%swap3A_208, %swap3A_209], %broadcast_in_dim3A_207 {strides = array<i32>} : memref<1024x24xf32, #tpu.memory_space<vmem>>, vector<1024x1xf32>,
      %neg3A = arith.constant 0.000000e+00 : f32
      %neg3A_211 = vector.broadcast %neg3A : f32 to vector<1024x1xf32>
      %neg3A_212 = arith.subf %neg3A_211, %add3A_202 : vector<1024x1xf32>
      %swap3A_213 = arith.constant 0 : index
      %swap3A_214 = arith.constant 17 : index
      %swap3A_215 = vector.load %arg5[%swap3A_213, %swap3A_214] : memref<1024x24xf32, #tpu.memory_space<vmem>>, vector<1024x1xf32>
      tpu.vector_store %arg5[%swap3A_213, %swap3A_214], %neg3A_212 {strides = array<i32>} : memref<1024x24xf32, #tpu.memory_space<vmem>>, vector<1024x1xf32>,
      %broadcast_in_dim3A_216 = arith.constant 0.000000e+00 : f32
      %broadcast_in_dim3A_217 = vector.broadcast %broadcast_in_dim3A_216 : f32 to vector<1024x6xf32>
      %swap3A_218 = arith.constant 0 : index
      %swap3A_219 = arith.constant 18 : index
      %swap3A_220 = vector.load %arg5[%swap3A_218, %swap3A_219] : memref<1024x24xf32, #tpu.memory_space<vmem>>, vector<1024x6xf32>
      tpu.vector_store %arg5[%swap3A_218, %swap3A_219], %broadcast_in_dim3A_217 {strides = array<i32>} : memref<1024x24xf32, #tpu.memory_space<vmem>>, vector<1024x6xf32>,
      %broadcast_in_dim3A_221 = arith.constant 0.000000e+00 : f32
      %broadcast_in_dim3A_222 = vector.broadcast %broadcast_in_dim3A_221 : f32 to vector<1024x128xf32>
      %swap3A_223 = arith.constant 0 : index
      %swap3A_224 = arith.constant 0 : index
      %swap3A_225 = vector.load %arg6[%swap3A_223, %swap3A_224] : memref<1024x128xf32, #tpu.memory_space<vmem>>, vector<1024x128xf32>
      tpu.vector_store %arg6[%swap3A_223, %swap3A_224], %broadcast_in_dim3A_222 {strides = array<i32>} : memref<1024x128xf32, #tpu.memory_space<vmem>>, vector<1024x128xf32>,
    } else {
    }
    %get3A = arith.constant 0 : index
    %get3A_2 = arith.constant 0 : index
    %get3A_3 = vector.load %arg5[%get3A, %get3A_2] : memref<1024x24xf32, #tpu.memory_space<vmem>>, vector<1024x24xf32>
    %mul3A = arith.constant 4096 : i32
    %mul3A_4 = arith.muli %arg0, %mul3A : i32
    %get3A_5 = arith.constant 0 : index
    %get3A_6 = arith.index_cast %mul3A_4 : i32 to index
    %get3A_7 = vector.load %arg3[%get3A_5, %get3A_6] : memref<24x102400xf32, #tpu.memory_space<vmem>>, vector<24x4096xf32>
    %dot_general3A = arith.constant dense<0.000000e+00> : vector<1024x4096xf32>
    %dot_general3A_8 = tpu.matmul %get3A_3, %get3A_7, %dot_general3A {dimension_numbers = #tpu.dot_dimension_numbers<[1], [0], [0], [1], [0, 0, 1, 1], [], []>, transpose_lhs_hint = false} : vector<1024x24xf32>, vector<24x4096xf32>, vector<1024x4096xf32> -> vector<1024x4096xf32>
    %get3A_9 = arith.constant 0 : index
    %get3A_10 = arith.constant 0 : index
    %get3A_11 = vector.load %arg6[%get3A_9, %get3A_10] : memref<1024x128xf32, #tpu.memory_space<vmem>>, vector<1024x128xf32>
    %slice3A = vector.extract_strided_slice %dot_general3A_8 {offsets = [0, 0], sizes = [1024, 128], strides = [1, 1]} : vector<1024x4096xf32> to vector<1024x128xf32>
    %exp3A = math.exp %slice3A : vector<1024x128xf32>
    %add3A = arith.addf %get3A_11, %exp3A : vector<1024x128xf32>
    %slice3A_12 = vector.extract_strided_slice %dot_general3A_8 {offsets = [0, 128], sizes = [1024, 128], strides = [1, 1]} : vector<1024x4096xf32> to vector<1024x128xf32>
    %exp3A_13 = math.exp %slice3A_12 : vector<1024x128xf32>
    %add3A_14 = arith.addf %add3A, %exp3A_13 : vector<1024x128xf32>
    %slice3A_15 = vector.extract_strided_slice %dot_general3A_8 {offsets = [0, 256], sizes = [1024, 128], strides = [1, 1]} : vector<1024x4096xf32> to vector<1024x128xf32>
    %exp3A_16 = math.exp %slice3A_15 : vector<1024x128xf32>
    %add3A_17 = arith.addf %add3A_14, %exp3A_16 : vector<1024x128xf32>
    %slice3A_18 = vector.extract_strided_slice %dot_general3A_8 {offsets = [0, 384], sizes = [1024, 128], strides = [1, 1]} : vector<1024x4096xf32> to vector<1024x128xf32>
    %exp3A_19 = math.exp %slice3A_18 : vector<1024x128xf32>
    %add3A_20 = arith.addf %add3A_17, %exp3A_19 : vector<1024x128xf32>
    %slice3A_21 = vector.extract_strided_slice %dot_general3A_8 {offsets = [0, 512], sizes = [1024, 128], strides = [1, 1]} : vector<1024x4096xf32> to vector<1024x128xf32>
    %exp3A_22 = math.exp %slice3A_21 : vector<1024x128xf32>
    %add3A_23 = arith.addf %add3A_20, %exp3A_22 : vector<1024x128xf32>
    %slice3A_24 = vector.extract_strided_slice %dot_general3A_8 {offsets = [0, 640], sizes = [1024, 128], strides = [1, 1]} : vector<1024x4096xf32> to vector<1024x128xf32>
    %exp3A_25 = math.exp %slice3A_24 : vector<1024x128xf32>
    %add3A_26 = arith.addf %add3A_23, %exp3A_25 : vector<1024x128xf32>
    %slice3A_27 = vector.extract_strided_slice %dot_general3A_8 {offsets = [0, 768], sizes = [1024, 128], strides = [1, 1]} : vector<1024x4096xf32> to vector<1024x128xf32>
    %exp3A_28 = math.exp %slice3A_27 : vector<1024x128xf32>
    %add3A_29 = arith.addf %add3A_26, %exp3A_28 : vector<1024x128xf32>
    %slice3A_30 = vector.extract_strided_slice %dot_general3A_8 {offsets = [0, 896], sizes = [1024, 128], strides = [1, 1]} : vector<1024x4096xf32> to vector<1024x128xf32>
    %exp3A_31 = math.exp %slice3A_30 : vector<1024x128xf32>
    %add3A_32 = arith.addf %add3A_29, %exp3A_31 : vector<1024x128xf32>
    %slice3A_33 = vector.extract_strided_slice %dot_general3A_8 {offsets = [0, 1024], sizes = [1024, 128], strides = [1, 1]} : vector<1024x4096xf32> to vector<1024x128xf32>
    %exp3A_34 = math.exp %slice3A_33 : vector<1024x128xf32>
    %add3A_35 = arith.addf %add3A_32, %exp3A_34 : vector<1024x128xf32>
    %slice3A_36 = vector.extract_strided_slice %dot_general3A_8 {offsets = [0, 1152], sizes = [1024, 128], strides = [1, 1]} : vector<1024x4096xf32> to vector<1024x128xf32>
    %exp3A_37 = math.exp %slice3A_36 : vector<1024x128xf32>
    %add3A_38 = arith.addf %add3A_35, %exp3A_37 : vector<1024x128xf32>
    %slice3A_39 = vector.extract_strided_slice %dot_general3A_8 {offsets = [0, 1280], sizes = [1024, 128], strides = [1, 1]} : vector<1024x4096xf32> to vector<1024x128xf32>
    %exp3A_40 = math.exp %slice3A_39 : vector<1024x128xf32>
    %add3A_41 = arith.addf %add3A_38, %exp3A_40 : vector<1024x128xf32>
    %slice3A_42 = vector.extract_strided_slice %dot_general3A_8 {offsets = [0, 1408], sizes = [1024, 128], strides = [1, 1]} : vector<1024x4096xf32> to vector<1024x128xf32>
    %exp3A_43 = math.exp %slice3A_42 : vector<1024x128xf32>
    %add3A_44 = arith.addf %add3A_41, %exp3A_43 : vector<1024x128xf32>
    %slice3A_45 = vector.extract_strided_slice %dot_general3A_8 {offsets = [0, 1536], sizes = [1024, 128], strides = [1, 1]} : vector<1024x4096xf32> to vector<1024x128xf32>
    %exp3A_46 = math.exp %slice3A_45 : vector<1024x128xf32>
    %add3A_47 = arith.addf %add3A_44, %exp3A_46 : vector<1024x128xf32>
    %slice3A_48 = vector.extract_strided_slice %dot_general3A_8 {offsets = [0, 1664], sizes = [1024, 128], strides = [1, 1]} : vector<1024x4096xf32> to vector<1024x128xf32>
    %exp3A_49 = math.exp %slice3A_48 : vector<1024x128xf32>
    %add3A_50 = arith.addf %add3A_47, %exp3A_49 : vector<1024x128xf32>
    %slice3A_51 = vector.extract_strided_slice %dot_general3A_8 {offsets = [0, 1792], sizes = [1024, 128], strides = [1, 1]} : vector<1024x4096xf32> to vector<1024x128xf32>
    %exp3A_52 = math.exp %slice3A_51 : vector<1024x128xf32>
    %add3A_53 = arith.addf %add3A_50, %exp3A_52 : vector<1024x128xf32>
    %slice3A_54 = vector.extract_strided_slice %dot_general3A_8 {offsets = [0, 1920], sizes = [1024, 128], strides = [1, 1]} : vector<1024x4096xf32> to vector<1024x128xf32>
    %exp3A_55 = math.exp %slice3A_54 : vector<1024x128xf32>
    %add3A_56 = arith.addf %add3A_53, %exp3A_55 : vector<1024x128xf32>
    %slice3A_57 = vector.extract_strided_slice %dot_general3A_8 {offsets = [0, 2048], sizes = [1024, 128], strides = [1, 1]} : vector<1024x4096xf32> to vector<1024x128xf32>
    %exp3A_58 = math.exp %slice3A_57 : vector<1024x128xf32>
    %add3A_59 = arith.addf %add3A_56, %exp3A_58 : vector<1024x128xf32>
    %slice3A_60 = vector.extract_strided_slice %dot_general3A_8 {offsets = [0, 2176], sizes = [1024, 128], strides = [1, 1]} : vector<1024x4096xf32> to vector<1024x128xf32>
    %exp3A_61 = math.exp %slice3A_60 : vector<1024x128xf32>
    %add3A_62 = arith.addf %add3A_59, %exp3A_61 : vector<1024x128xf32>
    %slice3A_63 = vector.extract_strided_slice %dot_general3A_8 {offsets = [0, 2304], sizes = [1024, 128], strides = [1, 1]} : vector<1024x4096xf32> to vector<1024x128xf32>
    %exp3A_64 = math.exp %slice3A_63 : vector<1024x128xf32>
    %add3A_65 = arith.addf %add3A_62, %exp3A_64 : vector<1024x128xf32>
    %slice3A_66 = vector.extract_strided_slice %dot_general3A_8 {offsets = [0, 2432], sizes = [1024, 128], strides = [1, 1]} : vector<1024x4096xf32> to vector<1024x128xf32>
    %exp3A_67 = math.exp %slice3A_66 : vector<1024x128xf32>
    %add3A_68 = arith.addf %add3A_65, %exp3A_67 : vector<1024x128xf32>
    %slice3A_69 = vector.extract_strided_slice %dot_general3A_8 {offsets = [0, 2560], sizes = [1024, 128], strides = [1, 1]} : vector<1024x4096xf32> to vector<1024x128xf32>
    %exp3A_70 = math.exp %slice3A_69 : vector<1024x128xf32>
    %add3A_71 = arith.addf %add3A_68, %exp3A_70 : vector<1024x128xf32>
    %slice3A_72 = vector.extract_strided_slice %dot_general3A_8 {offsets = [0, 2688], sizes = [1024, 128], strides = [1, 1]} : vector<1024x4096xf32> to vector<1024x128xf32>
    %exp3A_73 = math.exp %slice3A_72 : vector<1024x128xf32>
    %add3A_74 = arith.addf %add3A_71, %exp3A_73 : vector<1024x128xf32>
    %slice3A_75 = vector.extract_strided_slice %dot_general3A_8 {offsets = [0, 2816], sizes = [1024, 128], strides = [1, 1]} : vector<1024x4096xf32> to vector<1024x128xf32>
    %exp3A_76 = math.exp %slice3A_75 : vector<1024x128xf32>
    %add3A_77 = arith.addf %add3A_74, %exp3A_76 : vector<1024x128xf32>
    %slice3A_78 = vector.extract_strided_slice %dot_general3A_8 {offsets = [0, 2944], sizes = [1024, 128], strides = [1, 1]} : vector<1024x4096xf32> to vector<1024x128xf32>
    %exp3A_79 = math.exp %slice3A_78 : vector<1024x128xf32>
    %add3A_80 = arith.addf %add3A_77, %exp3A_79 : vector<1024x128xf32>
    %slice3A_81 = vector.extract_strided_slice %dot_general3A_8 {offsets = [0, 3072], sizes = [1024, 128], strides = [1, 1]} : vector<1024x4096xf32> to vector<1024x128xf32>
    %exp3A_82 = math.exp %slice3A_81 : vector<1024x128xf32>
    %add3A_83 = arith.addf %add3A_80, %exp3A_82 : vector<1024x128xf32>
    %slice3A_84 = vector.extract_strided_slice %dot_general3A_8 {offsets = [0, 3200], sizes = [1024, 128], strides = [1, 1]} : vector<1024x4096xf32> to vector<1024x128xf32>
    %exp3A_85 = math.exp %slice3A_84 : vector<1024x128xf32>
    %add3A_86 = arith.addf %add3A_83, %exp3A_85 : vector<1024x128xf32>
    %slice3A_87 = vector.extract_strided_slice %dot_general3A_8 {offsets = [0, 3328], sizes = [1024, 128], strides = [1, 1]} : vector<1024x4096xf32> to vector<1024x128xf32>
    %exp3A_88 = math.exp %slice3A_87 : vector<1024x128xf32>
    %add3A_89 = arith.addf %add3A_86, %exp3A_88 : vector<1024x128xf32>
    %slice3A_90 = vector.extract_strided_slice %dot_general3A_8 {offsets = [0, 3456], sizes = [1024, 128], strides = [1, 1]} : vector<1024x4096xf32> to vector<1024x128xf32>
    %exp3A_91 = math.exp %slice3A_90 : vector<1024x128xf32>
    %add3A_92 = arith.addf %add3A_89, %exp3A_91 : vector<1024x128xf32>
    %slice3A_93 = vector.extract_strided_slice %dot_general3A_8 {offsets = [0, 3584], sizes = [1024, 128], strides = [1, 1]} : vector<1024x4096xf32> to vector<1024x128xf32>
    %exp3A_94 = math.exp %slice3A_93 : vector<1024x128xf32>
    %add3A_95 = arith.addf %add3A_92, %exp3A_94 : vector<1024x128xf32>
    %slice3A_96 = vector.extract_strided_slice %dot_general3A_8 {offsets = [0, 3712], sizes = [1024, 128], strides = [1, 1]} : vector<1024x4096xf32> to vector<1024x128xf32>
    %exp3A_97 = math.exp %slice3A_96 : vector<1024x128xf32>
    %add3A_98 = arith.addf %add3A_95, %exp3A_97 : vector<1024x128xf32>
    %slice3A_99 = vector.extract_strided_slice %dot_general3A_8 {offsets = [0, 3840], sizes = [1024, 128], strides = [1, 1]} : vector<1024x4096xf32> to vector<1024x128xf32>
    %exp3A_100 = math.exp %slice3A_99 : vector<1024x128xf32>
    %add3A_101 = arith.addf %add3A_98, %exp3A_100 : vector<1024x128xf32>
    %slice3A_102 = vector.extract_strided_slice %dot_general3A_8 {offsets = [0, 3968], sizes = [1024, 128], strides = [1, 1]} : vector<1024x4096xf32> to vector<1024x128xf32>
    %exp3A_103 = math.exp %slice3A_102 : vector<1024x128xf32>
    %add3A_104 = arith.addf %add3A_101, %exp3A_103 : vector<1024x128xf32>
    %swap3A = arith.constant 0 : index
    %swap3A_105 = arith.constant 0 : index
    %swap3A_106 = vector.load %arg6[%swap3A, %swap3A_105] : memref<1024x128xf32, #tpu.memory_space<vmem>>, vector<1024x128xf32>
    tpu.vector_store %arg6[%swap3A, %swap3A_105], %add3A_104 {strides = array<i32>} : memref<1024x128xf32, #tpu.memory_space<vmem>>, vector<1024x128xf32>,
    %eq3A_107 = arith.constant 24 : i32
    %eq3A_108 = arith.cmpi eq, %arg0, %eq3A_107 : i32
    %convert_element_type3A_109 = arith.extui %eq3A_108 : i1 to i32
    %cond3A_110 = arith.constant 0 : i32
    %cond3A_111 = arith.cmpi ne, %convert_element_type3A_109, %cond3A_110 : i32
    scf.if %cond3A_111 {
      %get3A_112 = arith.constant 0 : index
      %get3A_113 = arith.constant 0 : index
      %get3A_114 = vector.load %arg6[%get3A_112, %get3A_113] : memref<1024x128xf32, #tpu.memory_space<vmem>>, vector<1024x128xf32>
      %reduce_sum3A = arith.constant dense<0.000000e+00> : vector<1024xf32>
      %reduce_sum3A_115 = vector.multi_reduction <add>, %get3A_114, %reduce_sum3A [1] : vector<1024x128xf32> to vector<1024xf32>
      %broadcast_in_dim3A = vector.shape_cast %reduce_sum3A_115 : vector<1024xf32> to vector<1024x1xf32>
      %get3A_116 = arith.constant 0 : index
      %get3A_117 = arith.constant 0 : index
      %get3A_118 = vector.load %arg5[%get3A_116, %get3A_117] : memref<1024x24xf32, #tpu.memory_space<vmem>>, vector<1024x24xf32>
      %swap3A_119 = arith.constant 0 : index
      %swap3A_120 = arith.constant 0 : index
      %swap3A_121 = vector.load %arg4[%swap3A_119, %swap3A_120] : memref<1024x24xf32, #tpu.memory_space<vmem>>, vector<1024x24xf32>
      tpu.vector_store %arg4[%swap3A_119, %swap3A_120], %get3A_118 {strides = array<i32>} : memref<1024x24xf32, #tpu.memory_space<vmem>>, vector<1024x24xf32>,
      %get3A_122 = arith.constant 0 : index
      %get3A_123 = arith.constant 17 : index
      %get3A_124 = vector.load %arg5[%get3A_122, %get3A_123] : memref<1024x24xf32, #tpu.memory_space<vmem>>, vector<1024x1xf32>
      %log3A = math.log %broadcast_in_dim3A : vector<1024x1xf32>
      %sub3A = arith.subf %get3A_124, %log3A : vector<1024x1xf32>
      %swap3A_125 = arith.constant 0 : index
      %swap3A_126 = arith.constant 17 : index
      %swap3A_127 = vector.load %arg4[%swap3A_125, %swap3A_126] : memref<1024x24xf32, #tpu.memory_space<vmem>>, vector<1024x1xf32>
      tpu.vector_store %arg4[%swap3A_125, %swap3A_126], %sub3A {strides = array<i32>} : memref<1024x24xf32, #tpu.memory_space<vmem>>, vector<1024x1xf32>,
    } else {
    }
    return
  }
  func.func @transform_0(%arg0: i32) -> (i32, i32) {
    %c0_i32 = arith.constant 0 : i32
    %c0_i32_0 = arith.constant 0 : i32
    %c0_i32_1 = arith.constant 0 : i32
    return %c0_i32, %c0_i32_0 : i32, i32
  }
  func.func @transform_1(%arg0: i32) -> (i32, i32) {
    %c0_i32 = arith.constant 0 : i32
    %c0_i32_0 = arith.constant 0 : i32
    %c0_i32_1 = arith.constant 0 : i32
    return %c0_i32, %c0_i32_0 : i32, i32
  }
  func.func @transform_2(%arg0: i32) -> (i32, i32) {
    %c0_i32 = arith.constant 0 : i32
    %c0_i32_0 = arith.constant 0 : i32
    %c0_i32_1 = arith.constant 0 : i32
    return %c0_i32, %c0_i32_0 : i32, i32
  }
  func.func @transform_3(%arg0: i32) -> (i32, i32) {
    %c0_i32 = arith.constant 0 : i32
    %c0_i32_0 = arith.constant 0 : i32
    %c0_i32_1 = arith.constant 0 : i32
    return %c0_i32, %c0_i32_0 : i32, i32
  }
}

module attributes {stable_mosaic.version = 14 : i64} {
  func.func @_out_body(%arg0: i32, %arg1: memref<1024x24xf32, #tpu.memory_space<vmem>>, %arg2: memref<24x2048xf32, #tpu.memory_space<vmem>>, %arg3: memref<1024x2048xf32, #tpu.memory_space<vmem>>) attributes {dimension_semantics = [#tpu.dimension_semantics<arbitrary>], iteration_bounds = array<i64: 49>, scalar_prefetch = 0 : i64, scratch_operands = 0 : i64, tpu.core_type = #tpu.core_type<tc>, window_params = [{pipeline_mode = #tpu.pipeline_mode<synchronous>, transform_indices = @transform_0, window_bounds = array<i64: 1024, 24>}, {transform_indices = @transform_1, window_bounds = array<i64: 24, 2048>}, {transform_indices = @transform_2, window_bounds = array<i64: 1024, 2048>}]} {
    %get3A = arith.constant 0 : index
    %get3A_0 = arith.constant 0 : index
    %get3A_1 = vector.load %arg1[%get3A, %get3A_0] : memref<1024x24xf32, #tpu.memory_space<vmem>>, vector<1024x24xf32>
    %get3A_2 = arith.constant 0 : index
    %get3A_3 = arith.constant 0 : index
    %get3A_4 = vector.load %arg2[%get3A_2, %get3A_3] : memref<24x2048xf32, #tpu.memory_space<vmem>>, vector<24x2048xf32>
    %dot_general3A = arith.constant dense<0.000000e+00> : vector<1024x2048xf32>
    %dot_general3A_5 = tpu.matmul %get3A_1, %get3A_4, %dot_general3A {dimension_numbers = #tpu.dot_dimension_numbers<[1], [0], [0], [1], [0, 0, 1, 1], [], []>, transpose_lhs_hint = false} : vector<1024x24xf32>, vector<24x2048xf32>, vector<1024x2048xf32> -> vector<1024x2048xf32>
    %swap3A = arith.constant 0 : index
    %swap3A_6 = arith.constant 0 : index
    %swap3A_7 = vector.load %arg3[%swap3A, %swap3A_6] : memref<1024x2048xf32, #tpu.memory_space<vmem>>, vector<1024x2048xf32>
    tpu.vector_store %arg3[%swap3A, %swap3A_6], %dot_general3A_5 {strides = array<i32>} : memref<1024x2048xf32, #tpu.memory_space<vmem>>, vector<1024x2048xf32>,
    return
  }
  func.func @transform_0(%arg0: i32) -> (i32, i32) {
    %c0_i32 = arith.constant 0 : i32
    %c0_i32_0 = arith.constant 0 : i32
    %c0_i32_1 = arith.constant 0 : i32
    return %c0_i32, %c0_i32_0 : i32, i32
  }
  func.func @transform_1(%arg0: i32) -> (i32, i32) {
    %c0_i32 = arith.constant 0 : i32
    %c0_i32_0 = arith.constant 0 : i32
    return %c0_i32, %arg0 : i32, i32
  }
  func.func @transform_2(%arg0: i32) -> (i32, i32) {
    %c0_i32 = arith.constant 0 : i32
    %c0_i32_0 = arith.constant 0 : i32
    return %c0_i32, %arg0 : i32, i32
  }
}

</mosaic_0001>

<sc_bundles>
// kernel: kernel.5.cloned.1.call-start
scs
__scs_entry_jumppad:
0x0: {  	(pc) =	sbr.rel $0x88, $3  }
0x1: {  	(tag) =	ssettag $0x0;
	lr =	simm.s32 $0x1  }
0x2: {  	[smem:$0x3F9D] =	sst lr;
	_ =	strace $0xD0000000  }
0x3: {  	_ = 	snop  }
0x4: {  	_ = 	snop  }
0x5: {  	_ = 	snop  }
0x6: {  	_ = 	snop  }
0x7: {  	_ = 	snop  }
__scs_overlays_trampoline_lowered:
0x8: {  	[smem:$0x3FAC] =	sst s0  }
0x9: {  	[smem:$0x3FAD] =	sst s1  }
0xa: {  	[smem:$0x3FAE] =	sst s2  }
0xb: {  	[smem:$0x3FAF] =	sst s3  }
0xc: {  	[smem:$0x3FB0] =	sst s4  }
0xd: {  	[smem:$0x3FB1] =	sst s5  }
0xe: {  	[smem:$0x3FB2] =	sst s6  }
0xf: {  	[smem:$0x3FB3] =	sst s7  }
0x10: {  	[smem:$0x3FB4] =	sst s8  }
0x11: {  	[smem:$0x3FB5] =	sst s9;
	s0 =	simm.s32 @!p0 $0x0  }
0x12: {  	s1 =	sld [smem:$0x3F9B];
	s0 =	simm.s32 @p0 $0x1  }
0x13: {  	[smem:$0x3FB6] =	sst s0;
	s0 =	simm.s32 @!p1 $0x0  }
0x14: {  	s2 =	sld [smem:$0x3F9A];
	s0 =	simm.s32 @p1 $0x1  }
0x15: {  	[smem:$0x3FB7] =	sst s0;
	s0 =	simm.s32 @!p2 $0x0  }
0x16: {  	s3 =	sld [smem:$0x3FDB];
	s0 =	simm.s32 @p2 $0x1  }
0x17: {  	s4 =	simm.s32 $0x1BF5;
	[smem:$0x3FB9] =	sst s0  }
0x18: {  	s0 =	sld [smem:$0x3F9C];
	_ =	swait.ge [sflag:s4], $0x0  }
0x19: {  	s7 =	sld [smem:$0x3F9D]  }
0x1a: {  	s8 =	sadd.s32 $0xFFFFE003, lr  }
0x1b: {  	s9 =	sadd.s32 $0xFFFFFEF7, lr;
	s5 =	simm.s32 $0xFFFFFFFF;
	p2 =	slt.u32 s8, $0xFFFFF086  }
0x1c: {  	p1 =	slt.u32 s9, $0xF7A;
	s5 =	simm.s32 @!p2 $0x0  }
0x1d: {  	s5 =	simm.s32 @p1 $0x1;
	p0 =	seq.s32 s7, s2  }
0x1e: {  	s7 =	smul.u32 @!p0 $0xF7A, s2;
	p2 =	seq.s32 @!p0 s5, $0x0  }
0x1f: {  	s9 =	smul.u32 $0xF7A, s1;
	s8 =	simm.s32 @!p0 $0x1BF5;
	p2 =	por !p2, p0  }
0x20: {  	[sflag:s8] =	ssyncset.s32 @!p0 $0xFFFFF086;
	s6 =	sadd.s32 @!p0 s3, s7;
	s7 =	simm.s32 @!p0 $0x108  }
0x21: {  	s3 =	sadd.s32 s3, s9;
	s6 =	sadd.s32 @!p0 $0x88, s6;
	s7 =	simm.s32 @p2 $0x1082  }
0x22: {  	[simem:s7], [sflag:s8] =	dma.local @!p0 [hbm:s6], $0xF7A  }
0x23: {  	s9 =	sor.u32 $0xD0000000, s2;
	s6 =	simm.s32 $0x108;
	_ =	swait.ge @!p0 [sflag:s8], $0x0  }
0x24: {  	s3 =	sadd.s32 $0x88, s3;
	s6 =	simm.s32 @!p1 $0x1082;
	[sflag:s4] =	ssyncset.s32 $0xFFFFF086  }
0x25: {  	[simem:s6], [sflag:s4] =	dma.local [hbm:s3], $0xF7A  }
0x26: {  	[smem:$0x3F9D] =	sst s1;
	(tag) =	ssettag s2;
	_ =	strace s9  }
0x27: {  	s1 =	sld [smem:$0x3FAD]  }
0x28: {  	s2 =	sld [smem:$0x3FAE]  }
0x29: {  	s4 =	sld [smem:$0x3FB0]  }
0x2a: {  	p0 =	seq.s32 s5, $0x0;
	s5 =	sld [smem:$0x3FB1]  }
0x2b: {  	s6 =	sld [smem:$0x3FB2]  }
0x2c: {  	s7 =	sld [smem:$0x3FB3]  }
0x2d: {  	s3 =	simm.s32 $0x108;
	s8 =	sld [smem:$0x3FB4]  }
0x2e: {  	s3 =	simm.s32 @!p0 $0x1082;
	s9 =	sld [smem:$0x3FB5]  }
0x2f: {  	lr =	sadd.s32 s0, s3;
	s0 =	sld [smem:$0x3FAC]  }
0x30: {  	s3 =	sld [smem:$0x3FAF]  }
0x31: {  	[smem:$0x3FB8] =	sst s10  }
0x32: {  	s10 =	sld [smem:$0x3FB6];
	_ =	sdelay $0x3  }
0x33: {  	p0 =	seq.s32 s10, $0x1;
	s10 =	sld [smem:$0x3FB8];
	_ =	sdelay $0x3  }
0x34: {  	[smem:$0x3FB8] =	sst s10  }
0x35: {  	s10 =	sld [smem:$0x3FB7];
	_ =	sdelay $0x3  }
0x36: {  	p1 =	seq.s32 s10, $0x1;
	s10 =	sld [smem:$0x3FB8];
	_ =	sdelay $0x3  }
0x37: {  	[smem:$0x3FB8] =	sst s10  }
0x38: {  	s10 =	sld [smem:$0x3FB9]  }
0x39: {  	_ = 	snop;
	(pc) =	sbr.ind lr, $3  }
0x3a: {  	_ = 	snop  }
0x3b: {  	_ = 	snop  }
0x3c: {  	p2 =	seq.s32 s10, $0x1;
	s10 =	sld [smem:$0x3FB8]  }
0x3d: {  	_ =	shalt  }
0x3e: {  	_ =	shalt  }
0x3f: {  	_ =	shalt  }
0x40: {  	_ =	shalt  }
0x41: {  	_ =	shalt  }
0x42: {  	_ =	shalt  }
0x43: {  	_ =	shalt  }
0x44: {  	_ =	shalt  }
0x45: {  	_ =	shalt  }
0x46: {  	_ =	shalt  }
0x47: {  	_ =	shalt  }
0x48: {  	_ =	shalt  }
0x49: {  	_ =	shalt  }
0x4a: {  	_ =	shalt  }
0x4b: {  	_ =	shalt  }
0x4c: {  	_ =	shalt  }
0x4d: {  	_ =	shalt  }
0x4e: {  	_ =	shalt  }
0x4f: {  	_ =	shalt  }
0x50: {  	_ =	shalt  }
0x51: {  	_ =	shalt  }
0x52: {  	_ =	shalt  }
0x53: {  	_ =	shalt  }
0x54: {  	_ =	shalt  }
0x55: {  	_ =	shalt  }
0x56: {  	_ =	shalt  }
0x57: {  	_ =	shalt  }
0x58: {  	_ =	shalt  }
0x59: {  	_ =	shalt  }
0x5a: {  	_ =	shalt  }
0x5b: {  	_ =	shalt  }
0x5c: {  	_ =	shalt  }
0x5d: {  	_ =	shalt  }
0x5e: {  	_ =	shalt  }
0x5f: {  	_ =	shalt  }
0x60: {  	_ =	shalt  }
0x61: {  	_ =	shalt  }
0x62: {  	_ =	shalt  }
0x63: {  	_ =	shalt  }
0x64: {  	_ =	shalt  }
0x65: {  	_ =	shalt  }
0x66: {  	_ =	shalt  }
0x67: {  	_ =	shalt  }
0x68: {  	_ =	shalt  }
0x69: {  	_ =	shalt  }
0x6a: {  	_ =	shalt  }
0x6b: {  	_ =	shalt  }
0x6c: {  	_ =	shalt  }
0x6d: {  	_ =	shalt  }
0x6e: {  	_ =	shalt  }
0x6f: {  	_ =	shalt  }
0x70: {  	_ =	shalt  }
0x71: {  	_ =	shalt  }
0x72: {  	_ =	shalt  }
0x73: {  	_ =	shalt  }
0x74: {  	_ =	shalt  }
0x75: {  	_ =	shalt  }
0x76: {  	_ =	shalt  }
0x77: {  	_ =	shalt  }
0x78: {  	_ =	shalt  }
0x79: {  	_ =	shalt  }
0x7a: {  	_ =	shalt  }
0x7b: {  	_ =	shalt  }
0x7c: {  	_ =	shalt  }
0x7d: {  	_ =	shalt  }
0x7e: {  	_ =	shalt  }
0x7f: {  	_ =	shalt  }
0x80: {  	_ =	shalt  }
0x81: {  	_ =	shalt  }
0x82: {  	_ =	shalt  }
0x83: {  	_ =	shalt  }
0x84: {  	_ =	shalt  }
0x85: {  	_ =	shalt  }
0x86: {  	_ =	shalt  }
0x87: {  	_ =	shalt  }
.Lfunc_end0:
.L_simem_size_0:
called_computation_lowered:
.L_overlay_start_0:
0x88: {  	s2 =	sld [smem:$0x3FD9]  }
0x89: {  	s3 =	sld [smem:$0x3FFE];
	_ =	sdelay $0x1  }
0x8a: {  	s1 =	srdreg.scid  }
0x8b: {  	s0 =	sand.u32 $0x1, s1  }
0x8c: {  	s17 =	sshll.u32 s0, $0xA;
	s2 =	sadd.s32 s3, s2  }
0x8d: {  	s2 =	sadd.s32 s2, s17  }
0x8e: {  	[smem:$0x3FC4] =	sst s2  }
0x8f: {  	_ = 	snop  }
0x90: {  	s2 =	sld [smem:$0x3FD0];
	(tm) =	ssettm $0x1  }
0x91: {  	s18 =	sld [smem:$0x3FFB];
	_ =	sdelay $0x3  }
0x92: {  	_ =	strace s18  }
0x93: {  	s3 =	sld [smem:$0x3FFC];
	_ =	sdelay $0x3  }
0x94: {  	_ =	strace s3  }
0x95: {  	s3 =	sld [smem:$0x3FFD];
	_ =	sdelay $0x3  }
0x96: {  	_ =	strace s3  }
0x97: {  	_ =	strace $0x8FFFFFFF  }
0x98: {  	s19 =	sld [smem:$0x3FDB];
	_ =	sdelay $0x1  }
0x99: {  	s4 =	simm.s32 $_scs_section_size  }
0x9a: {  	s5 =	simm.s32 $_size__tile_overlayer_lowered;
	s6 =	simm.s32 $_tile_overlayer_lowered  }
0x9b: {  	s22 =	simm.s32 $0x1BFF;
	s21 =	sshll.u32 s6, $0x1;
	s3 =	sadd.s32 s4, s19  }
0x9c: {  	s7 =	simm.s32 $0x0;
	s20 =	sshll.u32 s5, $0x1;
	s5 =	sadd.s32 s21, s3  }
0x9d: {  	[timem:s7], [sflag:s22] =	dma.local [hbm:s5], s20  }
0x9e: {  	_ =	swait.ge [sflag:s22], s20  }
0x9f: {  	s4 =	ssub.s32 $0x0, s20;
	[sflag:s22] =	ssyncset.done $0x0  }
0xa0: {  	[sflag:s22] =	ssyncadd.s32 s4;
	_ =	sdelay $0x1  }
0xa1: {  	s23 =	simm.s32 $0x1B8B  }
0xa2: {  	_ =	swait.ge [sflag:s23], $0x1  }
0xa3: {  	[sflag:s23] =	ssyncset.done $0x0  }
0xa4: {  	s25 =	simm.s32 $0x1B8E;
	s24 =	sld [smem:$0x3FFE];
	[sflag:s23] =	ssyncadd.s32 $0xFFFFFFFF  }
0xa5: {  	s26 =	simm.s32 $execute0_lowered;
	[smem:$0x3FD2] =	sst s25  }
0xa6: {  	s5 =	sshll.u32 s26, $0x1;
	_ =	strace $0x80000046;
	[dreg:$0x1] =	wrdreg $0xFFFFFFFF  }
0xa7: {  	s28 =	simm.s32 $_size_execute0_lowered;
	s3 =	sadd.s32 s3, s5;
	[dreg:$0x0] =	wrdreg $0x0  }
0xa8: {  	s5 =	sshll.u32 s28, $0x1;
	[dreg:$0x2] =	wrdreg s3  }
0xa9: {  	[dreg:$0x3] =	wrdreg s5  }
0xaa: {  	[dreg:$0x4] =	wrdreg $0xC0  }
0xab: {  	_ =	task [dreg:s7], $0x5FFFF  }
0xac: {  	[dreg:$0x1] =	wrdreg $0xFFFFFFFF  }
0xad: {  	[dreg:$0x0] =	wrdreg $0x60  }
0xae: {  	[dreg:$0x2] =	wrdreg s24  }
0xaf: {  	[dreg:$0x3] =	wrdreg s2  }
0xb0: {  	[dreg:$0x4] =	wrdreg $0x9  }
0xb1: {  	_ =	task.clear_ibuf [dreg:s7], $0x5FFFF;
	_ =	strace $0x90000046  }
0xb2: {  	s29 =	simm.s32 $0x9;
	_ =	strace $0x80000048  }
0xb3: {  	_ =	swait.ge [sflag:s29], $0x1  }
0xb4: {  	[sflag:s29] =	ssyncadd.s32 $0xFFFFFFFF  }
0xb5: {  	_ =	strace $0x90000048  }
0xb6: {  	_ =	sfence  }
0xb7: {  	s30 =	sld [smem:$0x0];
	_ =	sdelay $0x2  }
0xb8: {  	s31 =	sshll.u32 s1, $0xD;
	s1 =	sshrl.u32 s1, $0x2  }
0xb9: {  	s3 =	sand.u32 $0x4000, s31;
	s1 =	sadd.s32 s1, s30  }
0xba: {  	s0 =	sor.u32 s3, s0;
	s1 =	sshll.u32 s1, $0x11  }
0xbb: {  	s0 =	sor.u32 s1, s0  }
0xbc: {  	s0 =	sadd.s32 $0x8F2B, s0  }
0xbd: {  	[sflag:s0] =	ssyncadd.remote.s32 $0x1  }
0xbe: {  	_ =	sfence.sel $0xFFFF  }
0xbf: {  	[dreg:$0x0] =	wrdreg $0xFFFFFFFF;
	(pc) =	sbr.abs _section_cstart, $3  }
0xc0: {  	[dreg:$0x1] =	wrdreg $0xFFFFFFFF  }
0xc1: {  	_ =	task.clear_ibuf [dreg:s7], $0x2FFFF;
	_ =	strace $0x9FFFFFFF  }
0xc2: {  	(tm) =	ssettm $0x7FFFFFFF  }
0xc3: {  	_ =	shalt  }
tec
execute0_lowered:
.L_overlay_start_1:
0x0: {  	(tag) =	ssettag $0x1  }
0x1: {  	s1 =	srdreg.scid  }
0x2: {  	s0 =	stileid.u32;
	s6 =	sand.u32 $0x1, s1  }
0x3: {  	s5 =	rddreg [dreg:$0x0];
	s30 =	sshll.u32 s0, $0x6;
	s2 =	sshll.u32 s6, $0x5  }
0x4: {  	s9 =	rddreg [dreg:$0x1];
	s7 =	simm.s32 $0x80;
	s10 =	sor.u32 s2, s30  }
0x5: {  	s1 =	rddreg [dreg:$0x2];
	s2 =	simm.s32 $0x0;
	s3 =	sshrl.u32 s10, $0x3  }
0x6: {  	s11 =	ssub.s32 $0x2, s6;
	[smem:$0x7FF] =	sst s2;
	s3 =	sadd.s32 s3, s5  }
0x7: {  	_ =	strace $0x80000047;
	s4 =	sadd.s32 $0x1400, s3;
	s3 =	simm.s32 $0x2  }
0x8: {  	[tilespmem:s2], [sflag:$0x2] =	stream.linear.gather [hbm4b:s4+s2], $0x20, $0x38;
	[tilespmem:$0x1080] =	vst v63  }
0x9: {  	s8 =	simm.s32 $0x1;
	s12 =	sshrl.u32 s11, $0x1;
	_ =	swait.ge [sflag:s3], $0x20  }
0xa: {  	s6 =	simm.s32 $0x20;
	s11 =	ssub.s32 s11, s12;
	[sflag:s3] =	ssyncset.done $0x0  }
0xb: {  	s5 =	sadd.s32 $0x1600, s5;
	s31 =	smax.u32 s11, $0x1;
	[sflag:s3] =	ssyncadd.s32 $0xFFFFFFE0  }
0xc: {  	[tilespmem:s7], [sflag:$0x1] =	stream.indirect.gather [hbm4b:s5+s6], $0x80, s2, s6, $0xb8;
	[tilespmem:$0x1080] =	vst v63  }
0xd: {  	p0 =	sne.s32 s31, $0x1;
	_ =	swait.ge [sflag:s8], $0x1000  }
.Ltmp0:
0xe: {  	s10 =	sshll.u32 s10, $0x4;
	[sflag:s8] =	ssyncset.done $0x0;
	(pc) =	sbr.rel @!p0 .LBB2_2-.Ltmp0, $4  }
0xf: {  	s9 =	sadd.s32 s9, s10;
	[sflag:s8] =	ssyncadd.s32 $0xFFFFF000  }
0x10: {  	[hbm4b:s9+s2] =	stream.linear.scatter [tilespmem:s7], [sflag:$0x2], $0x1000, $0x38;
	[tilespmem:$0x1080] =	vst v63  }
0x11: {  	_ =	swait.ge [sflag:s3], $0x1000  }
0x12: {  	s10 =	sadd.s32 $0xFFFFFFFF, s31;
	[sflag:s3] =	ssyncset.done $0x0  }
.LBB2_1:
0x13: {  	p0 =	sne.s32 s10, $0x1;
	s10 =	sadd.s32 $0xFFFFFFFF, s10;
	[sflag:s3] =	ssyncadd.s32 $0xFFFFF000  }
0x14: {  	[tilespmem:s2], [sflag:$0x2] =	stream.linear.gather [hbm4b:s4+s2], $0x20, $0x38;
	[tilespmem:$0x1080] =	vst v63  }
0x15: {  	_ =	swait.ge [sflag:s3], $0x20  }
0x16: {  	[sflag:s3] =	ssyncset.done $0x0  }
0x17: {  	[sflag:s3] =	ssyncadd.s32 $0xFFFFFFE0  }
0x18: {  	[tilespmem:s7], [sflag:$0x1] =	stream.indirect.gather [hbm4b:s5+s6], $0x80, s2, s6, $0xb8;
	[tilespmem:$0x1080] =	vst v63  }
0x19: {  	_ =	swait.ge [sflag:s8], $0x1000  }
.Ltmp1:
0x1a: {  	[sflag:s8] =	ssyncset.done $0x0;
	(pc) =	sbr.rel @p0 .LBB2_1-.Ltmp1, $4  }
0x1b: {  	[sflag:s8] =	ssyncadd.s32 $0xFFFFF000  }
0x1c: {  	[hbm4b:s9+s2] =	stream.linear.scatter [tilespmem:s7], [sflag:$0x2], $0x1000, $0x38;
	[tilespmem:$0x1080] =	vst v63  }
0x1d: {  	_ =	swait.ge [sflag:s3], $0x1000  }
0x1e: {  	[sflag:s3] =	ssyncset.done $0x0  }
.LBB2_2:
0x1f: {  	[sflag:s3] =	ssyncadd.s32 $0xFFFFF000  }
0x20: {  	_ =	sfence.sel $0x180000  }
0x21: {  	[bflag:$0x0] =	sbarrier.arrive $0xFFFF  }
0x22: {  	p0 =	sne.s32 s0, $0x0;
	_ =	strace $0x90000047  }
0x23: {  	s0 =	sadd.s32 @!p0 $0x100000, s1;
	[bflag:$0x2] =	sbarrier.arrive $0xFFFF  }
0x24: {  	[sflag:s0] =	ssyncadd.tile.s32 @!p0 $0x1;
	_ =	shalt  }
.Lfunc_end2:
_tile_overlayer_lowered:
.L_overlay_start_2:
0x25: {  	(tag) =	ssettag $0x2  }
0x26: {  	s0 =	rddreg [dreg:$0x0];
	s2 =	stileid.u32  }
0x27: {  	s1 =	rddreg [dreg:$0x1];
	p0 =	sne.s32 s2, $0x0  }
0x28: {  	s3 =	rddreg [dreg:$0x2];
	[bflag:$0x3] =	sbarrier.arrive $0xFFFF;
	s2 =	simm.s32 @!p0 $0x1C02  }
0x29: {  	[timem:s3], [sflag:s2] =	dma.local @!p0 [hbm:s0], s1  }
0x2a: {  	s0 =	simm.s32 @!p0 $0x2  }
0x2b: {  	_ =	swait.ge @!p0 [sflag:s0], s1  }
0x2c: {  	s1 =	ssub.s32 @!p0 $0x0, s1;
	[sflag:s0] =	ssyncset.done @!p0 $0x0  }
0x2d: {  	[sflag:s0] =	ssyncadd.s32 @!p0 s1  }
0x2e: {  	[bflag:$0x3] =	sbarrier.arrive $0xFFFF  }
0x2f: {  	_ =	shalt  }

</sc_bundles>
